<compile_context>
chip_gen: v7x
topology: tpu7x:2x2x1
jax: 0.10.2.dev20260603
libtpu: 0.0.44.dev20260713+nightly
codegen_flags: <defaults>
</compile_context>

<pallas_src>
import functools

import jax
import jax.numpy as jnp
from jax import lax
from jax.experimental import pallas as pl
from jax.experimental.pallas import tpu as pltpu
from jax.experimental.pallas import tpu_sc as plsc

L = 16


def _prep_body(w2_ref, x_ref, edge_ref, a_ref, b_ref, row_ref, col_ref):
    ab = lax.dot_general(
        w2_ref[...], x_ref[...],
        dimension_numbers=(((1,), (1,)), ((), ())),
        preferred_element_type=jnp.float32,
    )
    a_ref[...] = ab[0]
    b_ref[...] = ab[1]
    row_ref[...] = edge_ref[0]
    col_ref[...] = edge_ref[1]


def _prep(x, W, edge32):
    n, d = x.shape
    e = edge32.shape[1]
    w2 = W.reshape(2, d)
    return pl.pallas_call(
        _prep_body,
        out_shape=(
            jax.ShapeDtypeStruct((n,), jnp.float32),
            jax.ShapeDtypeStruct((n,), jnp.float32),
            jax.ShapeDtypeStruct((e,), jnp.int32),
            jax.ShapeDtypeStruct((e,), jnp.int32),
        ),
    )(w2, x, edge32)


def _make_edge_weights(n_nodes, n_edges, n_cores, n_sub):
    n_workers = n_cores * n_sub
    epw = n_edges // n_workers
    seg = n_edges // n_sub
    chunk = 128
    pad = ((epw + chunk - 1) // chunk) * chunk
    mesh = plsc.VectorSubcoreMesh(core_axis_name="c", subcore_axis_name="s")

    @functools.partial(
        pl.kernel,
        mesh=mesh,
        compiler_params=pltpu.CompilerParams(needs_layout_passes=False),
        out_type=jax.ShapeDtypeStruct((n_edges,), jnp.float32),
        scratch_types=[
            pltpu.VMEM((n_nodes,), jnp.float32),
            pltpu.VMEM((n_nodes,), jnp.float32),
            pltpu.VMEM((seg,), jnp.int32),
            pltpu.VMEM((seg,), jnp.int32),
            pltpu.VMEM((seg,), jnp.float32),
            pltpu.VMEM((pad,), jnp.int32),
            pltpu.VMEM((pad,), jnp.float32),
            pltpu.VMEM((epw,), jnp.float32),
            pltpu.VMEM_SHARED((n_edges,), jnp.float32),
            pltpu.SemaphoreType.DMA,
        ],
    )
    def edge_weights(a_hbm, b_hbm, row_hbm, col_hbm, lr_hbm, out_hbm,
                     a_v, b_v, row_v, col_v, wseg_v, lr_v, wg_v, wown_v, w_sh,
                     sem):
        sid = lax.axis_index("s")
        wid = sid * n_cores + lax.axis_index("c")
        base = wid * epw
        sbase = sid * seg

        stage = [
            pltpu.async_copy(a_hbm, a_v, sem),
            pltpu.async_copy(b_hbm, b_v, sem),
            pltpu.async_copy(row_hbm.at[pl.ds(sbase, seg)], row_v, sem),
            pltpu.async_copy(col_hbm.at[pl.ds(sbase, seg)], col_v, sem),
            pltpu.async_copy(lr_hbm.at[pl.ds(base, epw)],
                             lr_v.at[pl.ds(0, epw)], sem),
        ]
        zeros = jnp.zeros((L,), jnp.int32)
        for t in range((pad - epw) // L):
            lr_v[pl.ds(epw + t * L, L)] = zeros
        for cp in stage:
            cp.wait()

        @plsc.parallel_loop(0, seg, step=L, unroll=16)
        def _(off):
            r = row_v[pl.ds(off, L)]
            c = col_v[pl.ds(off, L)]
            av = plsc.load_gather(a_v, [r])
            bv = plsc.load_gather(b_v, [c])
            z = av + bv
            wseg_v[pl.ds(off, L)] = 1.0 / (1.0 + jnp.exp(-z))

        pltpu.sync_copy(wseg_v, w_sh.at[pl.ds(sbase, seg)])
        plsc.subcore_barrier()

        def fire(g, carry):
            off = pl.multiple_of(g * chunk, chunk)
            pltpu.async_copy(
                w_sh.at[lr_v.at[pl.ds(off, chunk)]],
                wg_v.at[pl.ds(off, chunk)],
                sem,
            )
            return carry

        lax.fori_loop(0, pad // chunk, fire, 0)
        pltpu.sync_copy(w_sh.at[pl.ds(base, epw)], wown_v)
        pltpu.make_async_copy(out_hbm.at[pl.ds(0, pad)], wg_v, sem).wait()

        @plsc.parallel_loop(0, epw, step=L, unroll=8)
        def _(off):
            wg_v[pl.ds(off, L)] = wown_v[pl.ds(off, L)] * wg_v[pl.ds(off, L)]

        pltpu.sync_copy(wg_v.at[pl.ds(0, epw)], out_hbm.at[pl.ds(base, epw)])

    return edge_weights


def kernel(x, edge_index, left_right_idx, W):
    n_nodes, _ = x.shape
    n_edges = edge_index.shape[1]
    info = plsc.get_sparse_core_info()

    edge32 = edge_index.astype(jnp.int32)
    lr32 = left_right_idx.astype(jnp.int32)

    a, b, row32, col32 = _prep(x, W, edge32)
    out = _make_edge_weights(n_nodes, n_edges, info.num_cores,
                             info.num_subcores)(a, b, row32, col32, lr32)
    return out

# --- scband reference (transcript-rebuilt; emitter-appended) ---
"""Pipeline reference for scband-edge-weight-learner-55422257987594 (READ-ONLY COPY).

The authoritative reference and input builder live on the scoring server;
editing this copy changes nothing except your own understanding.
"""

import jax, jax.numpy as jnp
import numpy as np

N_NODES = 10000
N_EDGES = 320000
D = 128


def setup_inputs(seed: int = 0) -> dict:
    key = jax.random.key(seed)
    k1, k2, k3, k4 = jax.random.split(key, 4)
    x = jax.random.normal(k1, (N_NODES, D), dtype=jnp.float32)
    edge_index = jax.random.randint(k2, (2, N_EDGES), 0, N_NODES, dtype=jnp.int64)
    left_right_idx = jax.random.randint(k3, (N_EDGES,), 0, N_EDGES, dtype=jnp.int64)
    # Linear(in_channels*2 -> 1, bias=False): weight shape [1, 2*D], kaiming-uniform-ish init
    bound = 1.0 / np.sqrt(2 * D)
    W = jax.random.uniform(k4, (1, 2 * D), dtype=jnp.float32, minval=-bound, maxval=bound)
    return {"x": x, "edge_index": edge_index, "left_right_idx": left_right_idx, "W": W}


def reference(x, edge_index, left_right_idx, W):
    row = edge_index[0]
    col = edge_index[1]
    x_row = jnp.take(x, row, axis=0)            # gather [E, D]
    x_col = jnp.take(x, col, axis=0)            # gather [E, D]
    cat = jnp.concatenate([x_row, x_col], axis=1)  # [E, 2D]
    weights = cat @ W.T                          # [E, 1]
    weights = jax.nn.sigmoid(weights)
    edge_weights = weights * jnp.take(weights, left_right_idx, axis=0)  # gather on edges
    return jnp.squeeze(edge_weights, axis=-1)    # [E]

if __name__ == "__main__":
    import jax
    _d = setup_inputs()
    print(jax.jit(kernel)(*tuple(_d.values())))

</pallas_src>

<mosaic_0001>
#map = affine_map<(d0, d1) -> (0)>
module attributes {stable_mosaic.version = 14 : i64} {
  func.func @edge_weights(%arg0: i32, %arg1: i32, %arg2: memref<10000xf32, #tpu.memory_space<hbm>>, %arg3: memref<10000xf32, #tpu.memory_space<hbm>>, %arg4: memref<320000xi32, #tpu.memory_space<hbm>>, %arg5: memref<320000xi32, #tpu.memory_space<hbm>>, %arg6: memref<320000xi32, #tpu.memory_space<hbm>>, %arg7: memref<320000xf32, #tpu.memory_space<hbm>>, %arg8: memref<10000xf32, #tpu.memory_space<vmem>>, %arg9: memref<10000xf32, #tpu.memory_space<vmem>>, %arg10: memref<20000xi32, #tpu.memory_space<vmem>>, %arg11: memref<20000xi32, #tpu.memory_space<vmem>>, %arg12: memref<20000xf32, #tpu.memory_space<vmem>>, %arg13: memref<10112xi32, #tpu.memory_space<vmem>>, %arg14: memref<10112xf32, #tpu.memory_space<vmem>>, %arg15: memref<10000xf32, #tpu.memory_space<vmem>>, %arg16: memref<320000xf32, #tpu.memory_space<vmem_shared>>, %arg17: memref<!tpu.dma_semaphore, #tpu.memory_space<semaphore_mem>>) attributes {dimension_semantics = [#tpu.dimension_semantics<core_parallel>, #tpu.dimension_semantics<subcore_parallel>], iteration_bounds = array<i64: 2, 16>, scalar_prefetch = 0 : i64, scratch_operands = 10 : i64, tpu.core_type = #tpu.core_type<sc_vector_subcore>, window_params = [{transform_indices = #map}, {transform_indices = #map}, {transform_indices = #map}, {transform_indices = #map}, {transform_indices = #map}, {transform_indices = #map}]} {
    %mul3A = arith.constant 2 : i32
    %mul3A_0 = arith.muli %arg1, %mul3A : i32
    %add3A = arith.addi %mul3A_0, %arg0 : i32
    %mul3A_1 = arith.constant 10000 : i32
    %mul3A_2 = arith.muli %add3A, %mul3A_1 : i32
    %mul3A_3 = arith.constant 20000 : i32
    %mul3A_4 = arith.muli %arg1, %mul3A_3 : i32
    tpu.enqueue_dma source(%arg2 : memref<10000xf32, #tpu.memory_space<hbm>>) target(%arg8 : memref<10000xf32, #tpu.memory_space<vmem>>) target_semaphore(%arg17 : memref<!tpu.dma_semaphore, #tpu.memory_space<semaphore_mem>>)
    tpu.enqueue_dma source(%arg3 : memref<10000xf32, #tpu.memory_space<hbm>>) target(%arg9 : memref<10000xf32, #tpu.memory_space<vmem>>) target_semaphore(%arg17 : memref<!tpu.dma_semaphore, #tpu.memory_space<semaphore_mem>>)
    %dma_start3A = tpu.memref_slice %arg4[%mul3A_4] : memref<320000xi32, #tpu.memory_space<hbm>> -> memref<20000xi32, #tpu.memory_space<hbm>>
    %dma_start3A_5 = tpu.memref_slice %arg4[%mul3A_4] : memref<320000xi32, #tpu.memory_space<hbm>> -> memref<20000xi32, #tpu.memory_space<hbm>>
    tpu.enqueue_dma source(%dma_start3A_5 : memref<20000xi32, #tpu.memory_space<hbm>>) target(%arg10 : memref<20000xi32, #tpu.memory_space<vmem>>) target_semaphore(%arg17 : memref<!tpu.dma_semaphore, #tpu.memory_space<semaphore_mem>>)
    %dma_start3A_6 = tpu.memref_slice %arg5[%mul3A_4] : memref<320000xi32, #tpu.memory_space<hbm>> -> memref<20000xi32, #tpu.memory_space<hbm>>
    %dma_start3A_7 = tpu.memref_slice %arg5[%mul3A_4] : memref<320000xi32, #tpu.memory_space<hbm>> -> memref<20000xi32, #tpu.memory_space<hbm>>
    tpu.enqueue_dma source(%dma_start3A_7 : memref<20000xi32, #tpu.memory_space<hbm>>) target(%arg11 : memref<20000xi32, #tpu.memory_space<vmem>>) target_semaphore(%arg17 : memref<!tpu.dma_semaphore, #tpu.memory_space<semaphore_mem>>)
    %dma_start3A_8 = arith.constant 0 : i32
    %dma_start3A_9 = tpu.memref_slice %arg13[%dma_start3A_8] : memref<10112xi32, #tpu.memory_space<vmem>> -> memref<10000xi32, #tpu.memory_space<vmem>>
    %dma_start3A_10 = tpu.memref_slice %arg6[%mul3A_2] : memref<320000xi32, #tpu.memory_space<hbm>> -> memref<10000xi32, #tpu.memory_space<hbm>>
    %dma_start3A_11 = arith.constant 0 : i32
    %dma_start3A_12 = tpu.memref_slice %arg13[%dma_start3A_11] : memref<10112xi32, #tpu.memory_space<vmem>> -> memref<10000xi32, #tpu.memory_space<vmem>>
    %dma_start3A_13 = tpu.memref_slice %arg6[%mul3A_2] : memref<320000xi32, #tpu.memory_space<hbm>> -> memref<10000xi32, #tpu.memory_space<hbm>>
    tpu.enqueue_dma source(%dma_start3A_13 : memref<10000xi32, #tpu.memory_space<hbm>>) target(%dma_start3A_12 : memref<10000xi32, #tpu.memory_space<vmem>>) target_semaphore(%arg17 : memref<!tpu.dma_semaphore, #tpu.memory_space<semaphore_mem>>)
    %broadcast_in_dim3A = arith.constant 0 : i32
    %broadcast_in_dim3A_14 = vector.broadcast %broadcast_in_dim3A : i32 to vector<16xi32>
    %swap3A = arith.constant 10000 : index
    %swap3A_15 = tpu.vector_load %arg13[%swap3A] {strides = array<i32>} : memref<10112xi32, #tpu.memory_space<vmem>>, vector<16xi32>,
    tpu.vector_store %arg13[%swap3A], %broadcast_in_dim3A_14 {strides = array<i32>} : memref<10112xi32, #tpu.memory_space<vmem>>, vector<16xi32>,
    %swap3A_16 = arith.constant 10016 : index
    %swap3A_17 = tpu.vector_load %arg13[%swap3A_16] {strides = array<i32>} : memref<10112xi32, #tpu.memory_space<vmem>>, vector<16xi32>,
    tpu.vector_store %arg13[%swap3A_16], %broadcast_in_dim3A_14 {strides = array<i32>} : memref<10112xi32, #tpu.memory_space<vmem>>, vector<16xi32>,
    %swap3A_18 = arith.constant 10032 : index
    %swap3A_19 = tpu.vector_load %arg13[%swap3A_18] {strides = array<i32>} : memref<10112xi32, #tpu.memory_space<vmem>>, vector<16xi32>,
    tpu.vector_store %arg13[%swap3A_18], %broadcast_in_dim3A_14 {strides = array<i32>} : memref<10112xi32, #tpu.memory_space<vmem>>, vector<16xi32>,
    %swap3A_20 = arith.constant 10048 : index
    %swap3A_21 = tpu.vector_load %arg13[%swap3A_20] {strides = array<i32>} : memref<10112xi32, #tpu.memory_space<vmem>>, vector<16xi32>,
    tpu.vector_store %arg13[%swap3A_20], %broadcast_in_dim3A_14 {strides = array<i32>} : memref<10112xi32, #tpu.memory_space<vmem>>, vector<16xi32>,
    %swap3A_22 = arith.constant 10064 : index
    %swap3A_23 = tpu.vector_load %arg13[%swap3A_22] {strides = array<i32>} : memref<10112xi32, #tpu.memory_space<vmem>>, vector<16xi32>,
    tpu.vector_store %arg13[%swap3A_22], %broadcast_in_dim3A_14 {strides = array<i32>} : memref<10112xi32, #tpu.memory_space<vmem>>, vector<16xi32>,
    %swap3A_24 = arith.constant 10080 : index
    %swap3A_25 = tpu.vector_load %arg13[%swap3A_24] {strides = array<i32>} : memref<10112xi32, #tpu.memory_space<vmem>>, vector<16xi32>,
    tpu.vector_store %arg13[%swap3A_24], %broadcast_in_dim3A_14 {strides = array<i32>} : memref<10112xi32, #tpu.memory_space<vmem>>, vector<16xi32>,
    %swap3A_26 = arith.constant 10096 : index
    %swap3A_27 = tpu.vector_load %arg13[%swap3A_26] {strides = array<i32>} : memref<10112xi32, #tpu.memory_space<vmem>>, vector<16xi32>,
    tpu.vector_store %arg13[%swap3A_26], %broadcast_in_dim3A_14 {strides = array<i32>} : memref<10112xi32, #tpu.memory_space<vmem>>, vector<16xi32>,
    tpu.wait_dma2 semaphore(%arg17 : memref<!tpu.dma_semaphore, #tpu.memory_space<semaphore_mem>>) src(%arg2 : memref<10000xf32, #tpu.memory_space<hbm>>) dst(%arg8 : memref<10000xf32, #tpu.memory_space<vmem>>)
    tpu.wait_dma2 semaphore(%arg17 : memref<!tpu.dma_semaphore, #tpu.memory_space<semaphore_mem>>) src(%arg3 : memref<10000xf32, #tpu.memory_space<hbm>>) dst(%arg9 : memref<10000xf32, #tpu.memory_space<vmem>>)
    %dma_wait3A = tpu.memref_slice %arg4[%mul3A_4] : memref<320000xi32, #tpu.memory_space<hbm>> -> memref<20000xi32, #tpu.memory_space<hbm>>
    %dma_wait3A_28 = tpu.memref_slice %arg4[%mul3A_4] : memref<320000xi32, #tpu.memory_space<hbm>> -> memref<20000xi32, #tpu.memory_space<hbm>>
    tpu.wait_dma2 semaphore(%arg17 : memref<!tpu.dma_semaphore, #tpu.memory_space<semaphore_mem>>) src(%dma_wait3A_28 : memref<20000xi32, #tpu.memory_space<hbm>>) dst(%arg10 : memref<20000xi32, #tpu.memory_space<vmem>>)
    %dma_wait3A_29 = tpu.memref_slice %arg5[%mul3A_4] : memref<320000xi32, #tpu.memory_space<hbm>> -> memref<20000xi32, #tpu.memory_space<hbm>>
    %dma_wait3A_30 = tpu.memref_slice %arg5[%mul3A_4] : memref<320000xi32, #tpu.memory_space<hbm>> -> memref<20000xi32, #tpu.memory_space<hbm>>
    tpu.wait_dma2 semaphore(%arg17 : memref<!tpu.dma_semaphore, #tpu.memory_space<semaphore_mem>>) src(%dma_wait3A_30 : memref<20000xi32, #tpu.memory_space<hbm>>) dst(%arg11 : memref<20000xi32, #tpu.memory_space<vmem>>)
    %dma_wait3A_31 = arith.constant 0 : i32
    %dma_wait3A_32 = tpu.memref_slice %arg13[%dma_wait3A_31] : memref<10112xi32, #tpu.memory_space<vmem>> -> memref<10000xi32, #tpu.memory_space<vmem>>
    %dma_wait3A_33 = tpu.memref_slice %arg6[%mul3A_2] : memref<320000xi32, #tpu.memory_space<hbm>> -> memref<10000xi32, #tpu.memory_space<hbm>>
    %dma_wait3A_34 = arith.constant 0 : i32
    %dma_wait3A_35 = tpu.memref_slice %arg13[%dma_wait3A_34] : memref<10112xi32, #tpu.memory_space<vmem>> -> memref<10000xi32, #tpu.memory_space<vmem>>
    %dma_wait3A_36 = tpu.memref_slice %arg6[%mul3A_2] : memref<320000xi32, #tpu.memory_space<hbm>> -> memref<10000xi32, #tpu.memory_space<hbm>>
    tpu.wait_dma2 semaphore(%arg17 : memref<!tpu.dma_semaphore, #tpu.memory_space<semaphore_mem>>) src(%dma_wait3A_36 : memref<10000xi32, #tpu.memory_space<hbm>>) dst(%dma_wait3A_35 : memref<10000xi32, #tpu.memory_space<vmem>>)
    %parallel_loop3A = arith.constant 0 : i32
    %parallel_loop3A_37 = arith.constant 20000 : i32
    %parallel_loop3A_38 = arith.constant 16 : i32
    scf.for %parallel_loop3A_51 = %parallel_loop3A to %parallel_loop3A_37 step %parallel_loop3A_38  : i32 {
      %parallel_loop3A_52 = arith.index_cast %parallel_loop3A_51 : i32 to index
      %parallel_loop3A_53 = tpu.vector_load %arg10[%parallel_loop3A_52] {strides = array<i32>} : memref<20000xi32, #tpu.memory_space<vmem>>, vector<16xi32>,
      %parallel_loop3A_54 = arith.index_cast %parallel_loop3A_51 : i32 to index
      %parallel_loop3A_55 = tpu.vector_load %arg11[%parallel_loop3A_54] {strides = array<i32>} : memref<20000xi32, #tpu.memory_space<vmem>>, vector<16xi32>,
      %parallel_loop3A_56 = tpu.vector_load_idx %arg8[%parallel_loop3A_53] : memref<10000xf32, #tpu.memory_space<vmem>>[vector<16xi32>], vector<16xf32>,
      %parallel_loop3A_57 = tpu.vector_load_idx %arg9[%parallel_loop3A_55] : memref<10000xf32, #tpu.memory_space<vmem>>[vector<16xi32>], vector<16xf32>,
      %parallel_loop3A_58 = arith.addf %parallel_loop3A_56, %parallel_loop3A_57 : vector<16xf32>
      %parallel_loop3A_59 = arith.constant 0.000000e+00 : f32
      %parallel_loop3A_60 = vector.broadcast %parallel_loop3A_59 : f32 to vector<16xf32>
      %parallel_loop3A_61 = arith.subf %parallel_loop3A_60, %parallel_loop3A_58 : vector<16xf32>
      %parallel_loop3A_62 = math.exp %parallel_loop3A_61 : vector<16xf32>
      %parallel_loop3A_63 = arith.constant 1.000000e+00 : f32
      %parallel_loop3A_64 = vector.broadcast %parallel_loop3A_63 : f32 to vector<16xf32>
      %parallel_loop3A_65 = arith.addf %parallel_loop3A_64, %parallel_loop3A_62 : vector<16xf32>
      %parallel_loop3A_66 = arith.constant 1.000000e+00 : f32
      %parallel_loop3A_67 = vector.broadcast %parallel_loop3A_66 : f32 to vector<16xf32>
      %parallel_loop3A_68 = arith.divf %parallel_loop3A_67, %parallel_loop3A_65 : vector<16xf32>
      %parallel_loop3A_69 = arith.index_cast %parallel_loop3A_51 : i32 to index
      %parallel_loop3A_70 = tpu.vector_load %arg12[%parallel_loop3A_69] {strides = array<i32>} : memref<20000xf32, #tpu.memory_space<vmem>>, vector<16xf32>,
      tpu.vector_store %arg12[%parallel_loop3A_69], %parallel_loop3A_68 {strides = array<i32>} : memref<20000xf32, #tpu.memory_space<vmem>>, vector<16xf32>,
    } {sc.loop_unroll_factor = 16 : i64, sc.parallel_access}
    "tpu.region"() ({
      %run_scoped3A = tpu.sem_alloc : memref<!tpu.dma_semaphore, #tpu.memory_space<semaphore_mem>>
      %dma_start3A_51 = tpu.memref_slice %arg16[%mul3A_4] : memref<320000xf32, #tpu.memory_space<vmem_shared>> -> memref<20000xf32, #tpu.memory_space<vmem_shared>>
      %dma_start3A_52 = tpu.memref_slice %arg16[%mul3A_4] : memref<320000xf32, #tpu.memory_space<vmem_shared>> -> memref<20000xf32, #tpu.memory_space<vmem_shared>>
      tpu.enqueue_dma source(%arg12 : memref<20000xf32, #tpu.memory_space<vmem>>) target(%dma_start3A_52 : memref<20000xf32, #tpu.memory_space<vmem_shared>>) target_semaphore(%run_scoped3A : memref<!tpu.dma_semaphore, #tpu.memory_space<semaphore_mem>>)
      %dma_wait3A_53 = tpu.memref_slice %arg16[%mul3A_4] : memref<320000xf32, #tpu.memory_space<vmem_shared>> -> memref<20000xf32, #tpu.memory_space<vmem_shared>>
      %dma_wait3A_54 = tpu.memref_slice %arg16[%mul3A_4] : memref<320000xf32, #tpu.memory_space<vmem_shared>> -> memref<20000xf32, #tpu.memory_space<vmem_shared>>
      tpu.wait_dma2 semaphore(%run_scoped3A : memref<!tpu.dma_semaphore, #tpu.memory_space<semaphore_mem>>) src(%arg12 : memref<20000xf32, #tpu.memory_space<vmem>>) dst(%dma_wait3A_54 : memref<20000xf32, #tpu.memory_space<vmem_shared>>)
      tpu.yield
    }) : () -> ()
    %barrier3A = arith.constant 0 : index
    tpu.barrier barrier_id(%barrier3A)
    %scan3A = arith.constant 0 : i32
    %scan3A_39 = arith.constant 0 : i32
    %scan3A_40 = arith.constant 79 : i32
    %scan3A_41 = arith.addi %scan3A_39, %scan3A_40 : i32
    %scan3A_42 = arith.constant 1 : i32
    scf.for %scan3A_51 = %scan3A_39 to %scan3A_41 step %scan3A_42  : i32 {
      %mul3A_52 = arith.constant 128 : i32
      %mul3A_53 = arith.muli %scan3A_51, %mul3A_52 : i32
      %multiple_of3A = tpu.assume_multiple %mul3A_53, 128 : i32
      %dma_start3A_54 = tpu.memref_slice %arg14[%multiple_of3A] : memref<10112xf32, #tpu.memory_space<vmem>> -> memref<128xf32, #tpu.memory_space<vmem>>
      %dma_start3A_55 = tpu.memref_slice %arg13[%multiple_of3A] : memref<10112xi32, #tpu.memory_space<vmem>> -> memref<128xi32, #tpu.memory_space<vmem>>
      %dma_start3A_56 = arith.constant 0 : i32
      %dma_start3A_57 = tpu.memref_slice %arg16[%dma_start3A_56] : memref<320000xf32, #tpu.memory_space<vmem_shared>> -> memref<320000xf32, #tpu.memory_space<vmem_shared>>
      tpu.enqueue_indirect_dma source(%dma_start3A_57 : memref<320000xf32, #tpu.memory_space<vmem_shared>>) target(%dma_start3A_54 : memref<128xf32, #tpu.memory_space<vmem>>) offsets(%dma_start3A_55 : memref<128xi32, #tpu.memory_space<vmem>>) semaphore(%arg17 : memref<!tpu.dma_semaphore, #tpu.memory_space<semaphore_mem>>)
    }
    %scan3A_43 = arith.constant 79 : i32
    "tpu.region"() ({
      %run_scoped3A = tpu.sem_alloc : memref<!tpu.dma_semaphore, #tpu.memory_space<semaphore_mem>>
      %dma_start3A_51 = tpu.memref_slice %arg16[%mul3A_2] : memref<320000xf32, #tpu.memory_space<vmem_shared>> -> memref<10000xf32, #tpu.memory_space<vmem_shared>>
      %dma_start3A_52 = tpu.memref_slice %arg16[%mul3A_2] : memref<320000xf32, #tpu.memory_space<vmem_shared>> -> memref<10000xf32, #tpu.memory_space<vmem_shared>>
      tpu.enqueue_dma source(%dma_start3A_52 : memref<10000xf32, #tpu.memory_space<vmem_shared>>) target(%arg15 : memref<10000xf32, #tpu.memory_space<vmem>>) target_semaphore(%run_scoped3A : memref<!tpu.dma_semaphore, #tpu.memory_space<semaphore_mem>>)
      %dma_wait3A_53 = tpu.memref_slice %arg16[%mul3A_2] : memref<320000xf32, #tpu.memory_space<vmem_shared>> -> memref<10000xf32, #tpu.memory_space<vmem_shared>>
      %dma_wait3A_54 = tpu.memref_slice %arg16[%mul3A_2] : memref<320000xf32, #tpu.memory_space<vmem_shared>> -> memref<10000xf32, #tpu.memory_space<vmem_shared>>
      tpu.wait_dma2 semaphore(%run_scoped3A : memref<!tpu.dma_semaphore, #tpu.memory_space<semaphore_mem>>) src(%dma_wait3A_54 : memref<10000xf32, #tpu.memory_space<vmem_shared>>) dst(%arg15 : memref<10000xf32, #tpu.memory_space<vmem>>)
      tpu.yield
    }) : () -> ()
    %dma_wait3A_44 = arith.constant 0 : i32
    %dma_wait3A_45 = tpu.memref_slice %arg7[%dma_wait3A_44] : memref<320000xf32, #tpu.memory_space<hbm>> -> memref<10112xf32, #tpu.memory_space<hbm>>
    %dma_wait3A_46 = arith.constant 0 : i32
    %dma_wait3A_47 = tpu.memref_slice %arg7[%dma_wait3A_46] : memref<320000xf32, #tpu.memory_space<hbm>> -> memref<10112xf32, #tpu.memory_space<hbm>>
    tpu.wait_dma2 semaphore(%arg17 : memref<!tpu.dma_semaphore, #tpu.memory_space<semaphore_mem>>) src(%dma_wait3A_47 : memref<10112xf32, #tpu.memory_space<hbm>>) dst(%arg14 : memref<10112xf32, #tpu.memory_space<vmem>>)
    %parallel_loop3A_48 = arith.constant 0 : i32
    %parallel_loop3A_49 = arith.constant 10000 : i32
    %parallel_loop3A_50 = arith.constant 16 : i32
    scf.for %parallel_loop3A_51 = %parallel_loop3A_48 to %parallel_loop3A_49 step %parallel_loop3A_50  : i32 {
      %parallel_loop3A_52 = arith.index_cast %parallel_loop3A_51 : i32 to index
      %parallel_loop3A_53 = tpu.vector_load %arg15[%parallel_loop3A_52] {strides = array<i32>} : memref<10000xf32, #tpu.memory_space<vmem>>, vector<16xf32>,
      %parallel_loop3A_54 = arith.index_cast %parallel_loop3A_51 : i32 to index
      %parallel_loop3A_55 = tpu.vector_load %arg14[%parallel_loop3A_54] {strides = array<i32>} : memref<10112xf32, #tpu.memory_space<vmem>>, vector<16xf32>,
      %parallel_loop3A_56 = arith.mulf %parallel_loop3A_53, %parallel_loop3A_55 : vector<16xf32>
      %parallel_loop3A_57 = arith.index_cast %parallel_loop3A_51 : i32 to index
      %parallel_loop3A_58 = tpu.vector_load %arg14[%parallel_loop3A_57] {strides = array<i32>} : memref<10112xf32, #tpu.memory_space<vmem>>, vector<16xf32>,
      tpu.vector_store %arg14[%parallel_loop3A_57], %parallel_loop3A_56 {strides = array<i32>} : memref<10112xf32, #tpu.memory_space<vmem>>, vector<16xf32>,
    } {sc.loop_unroll_factor = 8 : i64, sc.parallel_access}
    "tpu.region"() ({
      %run_scoped3A = tpu.sem_alloc : memref<!tpu.dma_semaphore, #tpu.memory_space<semaphore_mem>>
      %dma_start3A_51 = arith.constant 0 : i32
      %dma_start3A_52 = tpu.memref_slice %arg14[%dma_start3A_51] : memref<10112xf32, #tpu.memory_space<vmem>> -> memref<10000xf32, #tpu.memory_space<vmem>>
      %dma_start3A_53 = tpu.memref_slice %arg7[%mul3A_2] : memref<320000xf32, #tpu.memory_space<hbm>> -> memref<10000xf32, #tpu.memory_space<hbm>>
      %dma_start3A_54 = tpu.memref_slice %arg7[%mul3A_2] : memref<320000xf32, #tpu.memory_space<hbm>> -> memref<10000xf32, #tpu.memory_space<hbm>>
      %dma_start3A_55 = arith.constant 0 : i32
      %dma_start3A_56 = tpu.memref_slice %arg14[%dma_start3A_55] : memref<10112xf32, #tpu.memory_space<vmem>> -> memref<10000xf32, #tpu.memory_space<vmem>>
      tpu.enqueue_dma source(%dma_start3A_56 : memref<10000xf32, #tpu.memory_space<vmem>>) target(%dma_start3A_54 : memref<10000xf32, #tpu.memory_space<hbm>>) target_semaphore(%run_scoped3A : memref<!tpu.dma_semaphore, #tpu.memory_space<semaphore_mem>>)
      %dma_wait3A_57 = arith.constant 0 : i32
      %dma_wait3A_58 = tpu.memref_slice %arg14[%dma_wait3A_57] : memref<10112xf32, #tpu.memory_space<vmem>> -> memref<10000xf32, #tpu.memory_space<vmem>>
      %dma_wait3A_59 = tpu.memref_slice %arg7[%mul3A_2] : memref<320000xf32, #tpu.memory_space<hbm>> -> memref<10000xf32, #tpu.memory_space<hbm>>
      %dma_wait3A_60 = tpu.memref_slice %arg7[%mul3A_2] : memref<320000xf32, #tpu.memory_space<hbm>> -> memref<10000xf32, #tpu.memory_space<hbm>>
      %dma_wait3A_61 = arith.constant 0 : i32
      %dma_wait3A_62 = tpu.memref_slice %arg14[%dma_wait3A_61] : memref<10112xf32, #tpu.memory_space<vmem>> -> memref<10000xf32, #tpu.memory_space<vmem>>
      tpu.wait_dma2 semaphore(%run_scoped3A : memref<!tpu.dma_semaphore, #tpu.memory_space<semaphore_mem>>) src(%dma_wait3A_62 : memref<10000xf32, #tpu.memory_space<vmem>>) dst(%dma_wait3A_60 : memref<10000xf32, #tpu.memory_space<hbm>>)
      tpu.yield
    }) : () -> ()
    return
  }
}

module attributes {stable_mosaic.version = 14 : i64} {
  func.func @_prep_body(%arg0: memref<2x128xf32, #tpu.memory_space<vmem>>, %arg1: memref<10000x128xf32, #tpu.memory_space<vmem>>, %arg2: memref<2x320000xi32, #tpu.memory_space<vmem>>, %arg3: memref<10000xf32, #tpu.memory_space<vmem>>, %arg4: memref<10000xf32, #tpu.memory_space<vmem>>, %arg5: memref<320000xi32, #tpu.memory_space<vmem>>, %arg6: memref<320000xi32, #tpu.memory_space<vmem>>) attributes {dimension_semantics = [], scalar_prefetch = 0 : i64, scratch_operands = 0 : i64, tpu.core_type = #tpu.core_type<tc>} {
    %get3A = arith.constant 0 : index
    %get3A_0 = arith.constant 0 : index
    %get3A_1 = vector.load %arg0[%get3A, %get3A_0] : memref<2x128xf32, #tpu.memory_space<vmem>>, vector<2x128xf32>
    %get3A_2 = arith.constant 0 : index
    %get3A_3 = arith.constant 0 : index
    %get3A_4 = vector.load %arg1[%get3A_2, %get3A_3] : memref<10000x128xf32, #tpu.memory_space<vmem>>, vector<10000x128xf32>
    %dot_general3A = arith.constant dense<0.000000e+00> : vector<2x10000xf32>
    %dot_general3A_5 = tpu.matmul %get3A_1, %get3A_4, %dot_general3A {dimension_numbers = #tpu.dot_dimension_numbers<[1], [1], [0], [0], [0, 0, 1, 0], [], []>, transpose_lhs_hint = false} : vector<2x128xf32>, vector<10000x128xf32>, vector<2x10000xf32> -> vector<2x10000xf32>
    %slice3A = vector.extract_strided_slice %dot_general3A_5 {offsets = [0, 0], sizes = [1, 10000], strides = [1, 1]} : vector<2x10000xf32> to vector<1x10000xf32>
    %squeeze3A = vector.shape_cast %slice3A : vector<1x10000xf32> to vector<10000xf32>
    %swap3A = arith.constant 0 : index
    %swap3A_6 = vector.load %arg3[%swap3A] : memref<10000xf32, #tpu.memory_space<vmem>>, vector<10000xf32>
    tpu.vector_store %arg3[%swap3A], %squeeze3A {strides = array<i32>} : memref<10000xf32, #tpu.memory_space<vmem>>, vector<10000xf32>,
    %slice3A_7 = vector.extract_strided_slice %dot_general3A_5 {offsets = [1, 0], sizes = [1, 10000], strides = [1, 1]} : vector<2x10000xf32> to vector<1x10000xf32>
    %squeeze3A_8 = vector.shape_cast %slice3A_7 : vector<1x10000xf32> to vector<10000xf32>
    %swap3A_9 = arith.constant 0 : index
    %swap3A_10 = vector.load %arg4[%swap3A_9] : memref<10000xf32, #tpu.memory_space<vmem>>, vector<10000xf32>
    tpu.vector_store %arg4[%swap3A_9], %squeeze3A_8 {strides = array<i32>} : memref<10000xf32, #tpu.memory_space<vmem>>, vector<10000xf32>,
    %get3A_11 = arith.constant 0 : index
    %get3A_12 = arith.constant 0 : index
    %get3A_13 = vector.load %arg2[%get3A_11, %get3A_12] : memref<2x320000xi32, #tpu.memory_space<vmem>>, vector<1x320000xi32>
    %get3A_14 = vector.shape_cast %get3A_13 : vector<1x320000xi32> to vector<320000xi32>
    %swap3A_15 = arith.constant 0 : index
    %swap3A_16 = vector.load %arg5[%swap3A_15] : memref<320000xi32, #tpu.memory_space<vmem>>, vector<320000xi32>
    tpu.vector_store %arg5[%swap3A_15], %get3A_14 {strides = array<i32>} : memref<320000xi32, #tpu.memory_space<vmem>>, vector<320000xi32>,
    %get3A_17 = arith.constant 1 : index
    %get3A_18 = arith.constant 0 : index
    %get3A_19 = vector.load %arg2[%get3A_17, %get3A_18] : memref<2x320000xi32, #tpu.memory_space<vmem>>, vector<1x320000xi32>
    %get3A_20 = vector.shape_cast %get3A_19 : vector<1x320000xi32> to vector<320000xi32>
    %swap3A_21 = arith.constant 0 : index
    %swap3A_22 = vector.load %arg6[%swap3A_21] : memref<320000xi32, #tpu.memory_space<vmem>>, vector<320000xi32>
    tpu.vector_store %arg6[%swap3A_21], %get3A_20 {strides = array<i32>} : memref<320000xi32, #tpu.memory_space<vmem>>, vector<320000xi32>,
    return
  }
}

</mosaic_0001>

<sc_bundles>
// kernel: kernel.4.cloned.1.call-start
scs
__scs_entry_jumppad:
0x0: {  	(pc) =	sbr.rel $0x88, $3  }
0x1: {  	(tag) =	ssettag $0x0;
	lr =	simm.s32 $0x1  }
0x2: {  	[smem:$0x3F9D] =	sst lr;
	_ =	strace $0xD0000000  }
0x3: {  	_ = 	snop  }
0x4: {  	_ = 	snop  }
0x5: {  	_ = 	snop  }
0x6: {  	_ = 	snop  }
0x7: {  	_ = 	snop  }
__scs_overlays_trampoline_lowered:
0x8: {  	[smem:$0x3FAC] =	sst s0  }
0x9: {  	[smem:$0x3FAD] =	sst s1  }
0xa: {  	[smem:$0x3FAE] =	sst s2  }
0xb: {  	[smem:$0x3FAF] =	sst s3  }
0xc: {  	[smem:$0x3FB0] =	sst s4  }
0xd: {  	[smem:$0x3FB1] =	sst s5  }
0xe: {  	[smem:$0x3FB2] =	sst s6  }
0xf: {  	[smem:$0x3FB3] =	sst s7  }
0x10: {  	[smem:$0x3FB4] =	sst s8  }
0x11: {  	[smem:$0x3FB5] =	sst s9;
	s0 =	simm.s32 @!p0 $0x0  }
0x12: {  	s1 =	sld [smem:$0x3F9B];
	s0 =	simm.s32 @p0 $0x1  }
0x13: {  	[smem:$0x3FB6] =	sst s0;
	s0 =	simm.s32 @!p1 $0x0  }
0x14: {  	s2 =	sld [smem:$0x3F9A];
	s0 =	simm.s32 @p1 $0x1  }
0x15: {  	[smem:$0x3FB7] =	sst s0;
	s0 =	simm.s32 @!p2 $0x0  }
0x16: {  	s3 =	sld [smem:$0x3FDB];
	s0 =	simm.s32 @p2 $0x1  }
0x17: {  	s4 =	simm.s32 $0x1BF5;
	[smem:$0x3FB9] =	sst s0  }
0x18: {  	s0 =	sld [smem:$0x3F9C];
	_ =	swait.ge [sflag:s4], $0x0  }
0x19: {  	s7 =	sld [smem:$0x3F9D]  }
0x1a: {  	s8 =	sadd.s32 $0xFFFFE003, lr  }
0x1b: {  	s9 =	sadd.s32 $0xFFFFFEF7, lr;
	s5 =	simm.s32 $0xFFFFFFFF;
	p2 =	slt.u32 s8, $0xFFFFF086  }
0x1c: {  	p1 =	slt.u32 s9, $0xF7A;
	s5 =	simm.s32 @!p2 $0x0  }
0x1d: {  	s5 =	simm.s32 @p1 $0x1;
	p0 =	seq.s32 s7, s2  }
0x1e: {  	s7 =	smul.u32 @!p0 $0xF7A, s2;
	p2 =	seq.s32 @!p0 s5, $0x0  }
0x1f: {  	s9 =	smul.u32 $0xF7A, s1;
	s8 =	simm.s32 @!p0 $0x1BF5;
	p2 =	por !p2, p0  }
0x20: {  	[sflag:s8] =	ssyncset.s32 @!p0 $0xFFFFF086;
	s6 =	sadd.s32 @!p0 s3, s7;
	s7 =	simm.s32 @!p0 $0x108  }
0x21: {  	s3 =	sadd.s32 s3, s9;
	s6 =	sadd.s32 @!p0 $0x88, s6;
	s7 =	simm.s32 @p2 $0x1082  }
0x22: {  	[simem:s7], [sflag:s8] =	dma.local @!p0 [hbm:s6], $0xF7A  }
0x23: {  	s9 =	sor.u32 $0xD0000000, s2;
	s6 =	simm.s32 $0x108;
	_ =	swait.ge @!p0 [sflag:s8], $0x0  }
0x24: {  	s3 =	sadd.s32 $0x88, s3;
	s6 =	simm.s32 @!p1 $0x1082;
	[sflag:s4] =	ssyncset.s32 $0xFFFFF086  }
0x25: {  	[simem:s6], [sflag:s4] =	dma.local [hbm:s3], $0xF7A  }
0x26: {  	[smem:$0x3F9D] =	sst s1;
	(tag) =	ssettag s2;
	_ =	strace s9  }
0x27: {  	s1 =	sld [smem:$0x3FAD]  }
0x28: {  	s2 =	sld [smem:$0x3FAE]  }
0x29: {  	s4 =	sld [smem:$0x3FB0]  }
0x2a: {  	p0 =	seq.s32 s5, $0x0;
	s5 =	sld [smem:$0x3FB1]  }
0x2b: {  	s6 =	sld [smem:$0x3FB2]  }
0x2c: {  	s7 =	sld [smem:$0x3FB3]  }
0x2d: {  	s3 =	simm.s32 $0x108;
	s8 =	sld [smem:$0x3FB4]  }
0x2e: {  	s3 =	simm.s32 @!p0 $0x1082;
	s9 =	sld [smem:$0x3FB5]  }
0x2f: {  	lr =	sadd.s32 s0, s3;
	s0 =	sld [smem:$0x3FAC]  }
0x30: {  	s3 =	sld [smem:$0x3FAF]  }
0x31: {  	[smem:$0x3FB8] =	sst s10  }
0x32: {  	s10 =	sld [smem:$0x3FB6];
	_ =	sdelay $0x3  }
0x33: {  	p0 =	seq.s32 s10, $0x1;
	s10 =	sld [smem:$0x3FB8];
	_ =	sdelay $0x3  }
0x34: {  	[smem:$0x3FB8] =	sst s10  }
0x35: {  	s10 =	sld [smem:$0x3FB7];
	_ =	sdelay $0x3  }
0x36: {  	p1 =	seq.s32 s10, $0x1;
	s10 =	sld [smem:$0x3FB8];
	_ =	sdelay $0x3  }
0x37: {  	[smem:$0x3FB8] =	sst s10  }
0x38: {  	s10 =	sld [smem:$0x3FB9]  }
0x39: {  	_ = 	snop;
	(pc) =	sbr.ind lr, $3  }
0x3a: {  	_ = 	snop  }
0x3b: {  	_ = 	snop  }
0x3c: {  	p2 =	seq.s32 s10, $0x1;
	s10 =	sld [smem:$0x3FB8]  }
0x3d: {  	_ =	shalt  }
0x3e: {  	_ =	shalt  }
0x3f: {  	_ =	shalt  }
0x40: {  	_ =	shalt  }
0x41: {  	_ =	shalt  }
0x42: {  	_ =	shalt  }
0x43: {  	_ =	shalt  }
0x44: {  	_ =	shalt  }
0x45: {  	_ =	shalt  }
0x46: {  	_ =	shalt  }
0x47: {  	_ =	shalt  }
0x48: {  	_ =	shalt  }
0x49: {  	_ =	shalt  }
0x4a: {  	_ =	shalt  }
0x4b: {  	_ =	shalt  }
0x4c: {  	_ =	shalt  }
0x4d: {  	_ =	shalt  }
0x4e: {  	_ =	shalt  }
0x4f: {  	_ =	shalt  }
0x50: {  	_ =	shalt  }
0x51: {  	_ =	shalt  }
0x52: {  	_ =	shalt  }
0x53: {  	_ =	shalt  }
0x54: {  	_ =	shalt  }
0x55: {  	_ =	shalt  }
0x56: {  	_ =	shalt  }
0x57: {  	_ =	shalt  }
0x58: {  	_ =	shalt  }
0x59: {  	_ =	shalt  }
0x5a: {  	_ =	shalt  }
0x5b: {  	_ =	shalt  }
0x5c: {  	_ =	shalt  }
0x5d: {  	_ =	shalt  }
0x5e: {  	_ =	shalt  }
0x5f: {  	_ =	shalt  }
0x60: {  	_ =	shalt  }
0x61: {  	_ =	shalt  }
0x62: {  	_ =	shalt  }
0x63: {  	_ =	shalt  }
0x64: {  	_ =	shalt  }
0x65: {  	_ =	shalt  }
0x66: {  	_ =	shalt  }
0x67: {  	_ =	shalt  }
0x68: {  	_ =	shalt  }
0x69: {  	_ =	shalt  }
0x6a: {  	_ =	shalt  }
0x6b: {  	_ =	shalt  }
0x6c: {  	_ =	shalt  }
0x6d: {  	_ =	shalt  }
0x6e: {  	_ =	shalt  }
0x6f: {  	_ =	shalt  }
0x70: {  	_ =	shalt  }
0x71: {  	_ =	shalt  }
0x72: {  	_ =	shalt  }
0x73: {  	_ =	shalt  }
0x74: {  	_ =	shalt  }
0x75: {  	_ =	shalt  }
0x76: {  	_ =	shalt  }
0x77: {  	_ =	shalt  }
0x78: {  	_ =	shalt  }
0x79: {  	_ =	shalt  }
0x7a: {  	_ =	shalt  }
0x7b: {  	_ =	shalt  }
0x7c: {  	_ =	shalt  }
0x7d: {  	_ =	shalt  }
0x7e: {  	_ =	shalt  }
0x7f: {  	_ =	shalt  }
0x80: {  	_ =	shalt  }
0x81: {  	_ =	shalt  }
0x82: {  	_ =	shalt  }
0x83: {  	_ =	shalt  }
0x84: {  	_ =	shalt  }
0x85: {  	_ =	shalt  }
0x86: {  	_ =	shalt  }
0x87: {  	_ =	shalt  }
.Lfunc_end0:
.L_simem_size_0:
called_computation_lowered:
.L_overlay_start_0:
0x88: {  	s2 =	sld [smem:$0x3FD9]  }
0x89: {  	s3 =	sld [smem:$0x3FFE];
	_ =	sdelay $0x1  }
0x8a: {  	s1 =	srdreg.scid  }
0x8b: {  	s0 =	sand.u32 $0x1, s1  }
0x8c: {  	s17 =	sshll.u32 s0, $0xA;
	s2 =	sadd.s32 s3, s2  }
0x8d: {  	s2 =	sadd.s32 s2, s17  }
0x8e: {  	[smem:$0x3FC4] =	sst s2  }
0x8f: {  	_ = 	snop  }
0x90: {  	s2 =	sld [smem:$0x3FC7]  }
0x91: {  	s18 =	sld [smem:$0x3FD0];
	(tm) =	ssettm $0x1  }
0x92: {  	s4 =	sld [smem:$0x3FFB];
	_ =	sdelay $0x3  }
0x93: {  	_ =	strace s4  }
0x94: {  	s4 =	sld [smem:$0x3FFC];
	_ =	sdelay $0x3  }
0x95: {  	_ =	strace s4  }
0x96: {  	s4 =	sld [smem:$0x3FFD];
	_ =	sdelay $0x3  }
0x97: {  	_ =	strace s4  }
0x98: {  	_ =	strace $0x8FFFFFFF  }
0x99: {  	s19 =	sld [smem:$0x3FDB];
	_ =	sdelay $0x1  }
0x9a: {  	s5 =	simm.s32 $_scs_section_size  }
0x9b: {  	s6 =	simm.s32 $_size__tile_overlayer_lowered;
	s7 =	simm.s32 $_tile_overlayer_lowered  }
0x9c: {  	s22 =	simm.s32 $0x1BFF;
	s21 =	sshll.u32 s7, $0x1;
	s4 =	sadd.s32 s5, s19  }
0x9d: {  	s8 =	simm.s32 $0x0;
	s20 =	sshll.u32 s6, $0x1;
	s6 =	sadd.s32 s21, s4  }
0x9e: {  	[timem:s8], [sflag:s22] =	dma.local [hbm:s6], s20  }
0x9f: {  	_ =	swait.ge [sflag:s22], s20  }
0xa0: {  	s5 =	ssub.s32 $0x0, s20;
	[sflag:s22] =	ssyncset.done $0x0  }
0xa1: {  	[sflag:s22] =	ssyncadd.s32 s5;
	_ =	sdelay $0x1  }
0xa2: {  	s23 =	simm.s32 $0x1B8B  }
0xa3: {  	_ =	swait.ge [sflag:s23], $0x1  }
0xa4: {  	[sflag:s23] =	ssyncset.done $0x0  }
0xa5: {  	s25 =	simm.s32 $0x1B8E;
	s24 =	sld [smem:$0x3FFE];
	[sflag:s23] =	ssyncadd.s32 $0xFFFFFFFF  }
0xa6: {  	s26 =	simm.s32 $execute0_lowered;
	[smem:$0x3FD2] =	sst s25  }
0xa7: {  	s6 =	sshll.u32 s26, $0x1;
	_ =	strace $0x80000046;
	[dreg:$0x1] =	wrdreg $0xFFFFFFFF  }
0xa8: {  	s28 =	simm.s32 $_size_execute0_lowered;
	s4 =	sadd.s32 s4, s6;
	[dreg:$0x0] =	wrdreg $0x0  }
0xa9: {  	s6 =	sshll.u32 s28, $0x1;
	[dreg:$0x2] =	wrdreg s4  }
0xaa: {  	[dreg:$0x3] =	wrdreg s6  }
0xab: {  	[dreg:$0x4] =	wrdreg $0xC0  }
0xac: {  	_ =	task [dreg:s8], $0x5FFFF  }
0xad: {  	[dreg:$0x1] =	wrdreg $0xFFFFFFFF  }
0xae: {  	[dreg:$0x0] =	wrdreg $0x60  }
0xaf: {  	[dreg:$0x2] =	wrdreg s24  }
0xb0: {  	[dreg:$0x3] =	wrdreg s2  }
0xb1: {  	[dreg:$0x4] =	wrdreg s18  }
0xb2: {  	[dreg:$0x5] =	wrdreg $0x1B1000  }
0xb3: {  	[dreg:$0x6] =	wrdreg $0x9  }
0xb4: {  	_ =	task.clear_ibuf [dreg:s8], $0x7FFFF;
	_ =	strace $0x90000046  }
0xb5: {  	s29 =	simm.s32 $0x9;
	_ =	strace $0x80000048  }
0xb6: {  	_ =	swait.ge [sflag:s29], $0x1  }
0xb7: {  	[sflag:s29] =	ssyncadd.s32 $0xFFFFFFFF  }
0xb8: {  	_ =	strace $0x90000048  }
0xb9: {  	_ =	sfence  }
0xba: {  	s30 =	sld [smem:$0x0];
	_ =	sdelay $0x2  }
0xbb: {  	s31 =	sshll.u32 s1, $0xD;
	s1 =	sshrl.u32 s1, $0x2  }
0xbc: {  	s3 =	sand.u32 $0x4000, s31;
	s1 =	sadd.s32 s1, s30  }
0xbd: {  	s0 =	sor.u32 s3, s0;
	s1 =	sshll.u32 s1, $0x11  }
0xbe: {  	s0 =	sor.u32 s1, s0  }
0xbf: {  	s0 =	sadd.s32 $0x8F2B, s0  }
0xc0: {  	[sflag:s0] =	ssyncadd.remote.s32 $0x1  }
0xc1: {  	_ =	sfence.sel $0xFFFF  }
0xc2: {  	[dreg:$0x0] =	wrdreg $0xFFFFFFFF;
	(pc) =	sbr.abs _section_cstart, $3  }
0xc3: {  	[dreg:$0x1] =	wrdreg $0xFFFFFFFF  }
0xc4: {  	_ =	task.clear_ibuf [dreg:s8], $0x2FFFF;
	_ =	strace $0x9FFFFFFF  }
0xc5: {  	(tm) =	ssettm $0x7FFFFFFF  }
tec
execute0_lowered:
.L_overlay_start_1:
0x0: {  	(tag) =	ssettag $0x1  }
0x1: {  	s0 =	rddreg [dreg:$0x0]  }
0x2: {  	s8 =	rddreg [dreg:$0x1]  }
0x3: {  	s11 =	rddreg [dreg:$0x2]  }
0x4: {  	s2 =	rddreg [dreg:$0x3]  }
0x5: {  	s3 =	simm.s32 $0x0;
	s1 =	stileid.u32;
	s4 =	srdreg.scid  }
0x6: {  	s14 =	simm.s32 $0x4F00;
	s15 =	simm.s32 $0x9D80;
	s16 =	simm.s32 $0x13A80  }
0x7: {  	s17 =	simm.s32 $0x1;
	s18 =	simm.s32 $0xEC00;
	s19 =	simm.s32 $0x2  }
0x8: {  	s20 =	simm.s32 $0x80;
	s21 =	simm.s32 $0x18980;
	s22 =	simm.s32 $0x16200  }
0x9: {  	s23 =	simm.s32 $0x0;
	[smem:$0x7FF] =	sst s3;
	s5 =	sand.u32 $0x1, s4  }
0xa: {  	s30 =	sshll.u32 s1, $0x1;
	s9 =	smul.u32 $0x4E20, s1;
	s4 =	sadd.s32 $0x15000, s0  }
0xb: {  	_ =	strace $0x80000047;
	s6 =	sor.u32 s5, s30;
	s7 =	ssub.s32 $0x2, s5  }
0xc: {  	s5 =	sadd.s32 $0x15600, s0;
	s10 =	smul.u32 $0x2710, s6;
	s31 =	sshrl.u32 s9, $0x3  }
0xd: {  	s12 =	sshrl.u32 s7, $0x1;
	s9 =	sadd.s32 s9, s2;
	s0 =	sadd.s32 s31, s0  }
0xe: {  	s12 =	ssub.s32 s7, s12;
	s13 =	sshrl.u32 s10, $0x3;
	s6 =	sadd.s32 $0x1400, s0  }
0xf: {  	s7 =	sadd.s32 $0xB200, s0;
	s10 =	sadd.s32 s10, s2;
	s12 =	smax.u32 s12, $0x1  }
0x10: {  	v0 =	vimm.s32 $0x0;
	s8 =	sadd.s32 s8, s13;
	s11 =	sadd.s32 s11, s13;
	s13 =	simm.s32 $0x2780  }
.LBB2_1:
0x11: {  	[tilespmem:s3], [sflag:$0x1] =	stream.linear.gather [hbm4b:s4+s3], $0x2780, $0x38;
	[tilespmem:$0x1FF20] =	vst v63  }
0x12: {  	_ = 	snop  }
0x13: {  	[tilespmem:s13], [sflag:$0x1] =	stream.linear.gather [hbm4b:s5+s3], $0x2780, $0x38;
	[tilespmem:$0x1FF20] =	vst v63  }
0x14: {  	_ = 	snop  }
0x15: {  	[tilespmem:s14], [sflag:$0x1] =	stream.linear.gather [hbm4b:s6+s3], $0x4E20, $0x38;
	[tilespmem:$0x1FF20] =	vst v63  }
0x16: {  	_ = 	snop  }
0x17: {  	[tilespmem:s15], [sflag:$0x1] =	stream.linear.gather [hbm4b:s7+s3], $0x4E20, $0x38;
	[tilespmem:$0x1FF20] =	vst v63  }
0x18: {  	_ = 	snop  }
0x19: {  	[tilespmem:s16], [sflag:$0x1] =	stream.linear.gather [hbm4b:s8+s3], $0x2710, $0x38;
	[tilespmem:$0x1FF20] =	vst v63  }
0x1a: {  	[tilespmem:$0x16190] =	vst v0  }
0x1b: {  	[tilespmem:$0x161A0] =	vst v0  }
0x1c: {  	[tilespmem:$0x161B0] =	vst v0  }
0x1d: {  	[tilespmem:$0x161C0] =	vst v0  }
0x1e: {  	[tilespmem:$0x161D0] =	vst v0  }
0x1f: {  	[tilespmem:$0x161E0] =	vst v0  }
0x20: {  	[tilespmem:$0x161F0] =	vst v0  }
0x21: {  	_ =	swait.ge [sflag:s17], $0x2780  }
0x22: {  	[sflag:s17] =	ssyncset.done $0x0  }
0x23: {  	[sflag:s17] =	ssyncadd.s32 $0xFFFFD880  }
0x24: {  	_ =	swait.ge [sflag:s17], $0x2780  }
0x25: {  	[sflag:s17] =	ssyncset.done $0x0  }
0x26: {  	[sflag:s17] =	ssyncadd.s32 $0xFFFFD880  }
0x27: {  	_ =	swait.ge [sflag:s17], $0x4E20  }
0x28: {  	[sflag:s17] =	ssyncset.done $0x0  }
0x29: {  	[sflag:s17] =	ssyncadd.s32 $0xFFFFB1E0  }
0x2a: {  	_ =	swait.ge [sflag:s17], $0x4E20  }
0x2b: {  	[sflag:s17] =	ssyncset.done $0x0  }
0x2c: {  	[sflag:s17] =	ssyncadd.s32 $0xFFFFB1E0  }
0x2d: {  	_ =	swait.ge [sflag:s17], $0x2710  }
0x2e: {  	[sflag:s17] =	ssyncset.done $0x0  }
0x2f: {  	s0 =	simm.s32 $0x4F80;
	[sflag:s17] =	ssyncadd.s32 $0xFFFFD8F0  }
0x30: {  	s24 =	simm.s32 $0x9E00;
	v1 =	vld [tilespmem:s0+$0x70]  }
0x31: {  	v2 =	vld [tilespmem:s24+$0x70]  }
0x32: {  	v3 =	vld [tilespmem:s24+$0xFFFFFF80]  }
0x33: {  	v4 =	vld [tilespmem:s0+$0xFFFFFF90]  }
0x34: {  	v5 =	vld [tilespmem:s24+$0xFFFFFF90]  }
0x35: {  	v6 =	vld [tilespmem:s0+$0xFFFFFFA0]  }
0x36: {  	v7 =	vld [tilespmem:s24+$0xFFFFFFA0]  }
0x37: {  	v8 =	vld [tilespmem:s0+$0xFFFFFFB0]  }
0x38: {  	v9 =	vld [tilespmem:s24+$0xFFFFFFB0]  }
0x39: {  	v10 =	vld [tilespmem:s0+$0xFFFFFFC0]  }
0x3a: {  	v11 =	vld [tilespmem:s24+$0xFFFFFFC0]  }
0x3b: {  	v12 =	vld [tilespmem:s0+$0xFFFFFFD0]  }
0x3c: {  	v13 =	vld [tilespmem:s24+$0xFFFFFFD0]  }
0x3d: {  	v14 =	vld [tilespmem:s0+$0xFFFFFFE0]  }
0x3e: {  	v15 =	vld [tilespmem:s24+$0xFFFFFFE0]  }
0x3f: {  	v16 =	vld [tilespmem:s0+$0xFFFFFFF0]  }
0x40: {  	v17 =	vld [tilespmem:s24+$0xFFFFFFF0]  }
0x41: {  	v18 =	vld [tilespmem:s0+$0x0]  }
0x42: {  	v19 =	vld [tilespmem:s24+$0x0]  }
0x43: {  	v20 =	vld [tilespmem:s0+$0x10]  }
0x44: {  	v21 =	vld [tilespmem:s24+$0x10]  }
0x45: {  	v22 =	vld [tilespmem:s0+$0x20]  }
0x46: {  	v23 =	vld [tilespmem:s24+$0x20]  }
0x47: {  	v1 =	vld.idx.msk [tilespmem:v1+s3+$0x0], $0xffff  }
0x48: {  	v2 =	vld.idx.msk [tilespmem:v2+s13+$0x0], $0xffff  }
0x49: {  	v24 =	vld [tilespmem:s0+$0x30]  }
0x4a: {  	v25 =	vld [tilespmem:s24+$0x30]  }
0x4b: {  	v26 =	vld [tilespmem:s0+$0x40]  }
0x4c: {  	v27 =	vld [tilespmem:s24+$0x40]  }
0x4d: {  	v28 =	vld [tilespmem:s0+$0x50];
	v1 =	vadd.f32 v2, v1  }
0x4e: {  	v29 =	vld [tilespmem:s24+$0x50]  }
0x4f: {  	v30 =	vld [tilespmem:s0+$0x60];
	v1 =	vsub.f32 $0.0e+00, v1  }
0x50: {  	v31 =	vld [tilespmem:s24+$0x60]  }
0x51: {  	v3 =	vld.idx.msk [tilespmem:v3+s13+$0x0], $0xffff;
	v1 =	vmul.f32 $1.442695020e+00, v1  }
0x52: {  	v2 =	vld [tilespmem:s0+$0xFFFFFF80]  }
0x53: {  	(erf) = vpow2.f32 v1;
	v1 =	vld.idx.msk [tilespmem:v4+s3+$0x0], $0xffff  }
0x54: {  	v4 =	vld.idx.msk [tilespmem:v5+s13+$0x0], $0xffff  }
0x55: {  	v5 =	vld.idx.msk [tilespmem:v6+s3+$0x0], $0xffff  }
0x56: {  	v6 =	vld.idx.msk [tilespmem:v7+s13+$0x0], $0xffff  }
0x57: {  	v7 =	vld.idx.msk [tilespmem:v8+s3+$0x0], $0xffff  }
0x58: {  	v8 =	vld.idx.msk [tilespmem:v9+s13+$0x0], $0xffff  }
0x59: {  	v9 =	vld.idx.msk [tilespmem:v10+s3+$0x0], $0xffff  }
0x5a: {  	v2 =	vld.idx.msk [tilespmem:v2+s3+$0x0], $0xffff  }
0x5b: {  	v1 =	vadd.f32 v4, v1;
	v4 =	vld.idx.msk [tilespmem:v11+s13+$0x0], $0xffff  }
0x5c: {  	v5 =	vadd.f32 v6, v5;
	v6 =	vld.idx.msk [tilespmem:v12+s3+$0x0], $0xffff  }
0x5d: {  	v11 =	vld.idx.msk [tilespmem:v13+s13+$0x0], $0xffff;
	v7 =	vadd.f32 v8, v7;
	v10 =	vpop (erf)  }
0x5e: {  	v8 =	vld.idx.msk [tilespmem:v14+s3+$0x0], $0xffff;
	v1 =	vsub.f32 $0.0e+00, v1;
	v10 =	vadd.f32 $1.000000000e+00, v10  }
0x5f: {  	v12 =	vld.idx.msk [tilespmem:v18+s3+$0x0], $0xffff;
	v5 =	vsub.f32 $0.0e+00, v5  }
0x60: {  	v14 =	vld.idx.msk [tilespmem:v25+s13+$0x0], $0xffff;
	v2 =	vadd.f32 v3, v2;
	v1 =	vmul.f32 $1.442695020e+00, v1;
	(erf) = vrcp.f32 v10  }
0x61: {  	v3 =	vmul.f32 $1.442695020e+00, v5;
	v5 =	vsub.f32 $0.0e+00, v7;
	v7 =	vld.idx.msk [tilespmem:v16+s3+$0x0], $0xffff  }
0x62: {  	v2 =	vsub.f32 $0.0e+00, v2;
	v10 =	vld.idx.msk [tilespmem:v15+s13+$0x0], $0xffff;
	(erf) = vpow2.f32 v1  }
0x63: {  	v5 =	vmul.f32 $1.442695020e+00, v5;
	v1 =	vld.idx.msk [tilespmem:v17+s13+$0x0], $0xffff;
	(erf) = vpow2.f32 v3;
	v3 =	vadd.f32 v4, v9  }
0x64: {  	v2 =	vmul.f32 $1.442695020e+00, v2;
	v4 =	vld.idx.msk [tilespmem:v19+s13+$0x0], $0xffff  }
0x65: {  	v9 =	vld.idx.msk [tilespmem:v20+s3+$0x0], $0xffff;
	(erf) = vpow2.f32 v5;
	v5 =	vadd.f32 v11, v6;
	v3 =	vsub.f32 $0.0e+00, v3  }
0x66: {  	v6 =	vld.idx.msk [tilespmem:v21+s13+$0x0], $0xffff;
	(erf) = vpow2.f32 v2  }
0x67: {  	v11 =	vld.idx.msk [tilespmem:v23+s13+$0x0], $0xffff;
	v8 =	vadd.f32 v10, v8;
	v2 =	vmul.f32 $1.442695020e+00, v3;
	v3 =	vsub.f32 $0.0e+00, v5  }
0x68: {  	v10 =	vld.idx.msk [tilespmem:v22+s3+$0x0], $0xffff;
	v1 =	vadd.f32 v1, v7  }
0x69: {  	v5 =	vsub.f32 $0.0e+00, v8;
	v8 =	vld.idx.msk [tilespmem:v24+s3+$0x0], $0xffff;
	v3 =	vmul.f32 $1.442695020e+00, v3;
	v13 =	vpop (erf);
	(erf) = vpow2.f32 v2  }
0x6a: {  	v4 =	vadd.f32 v4, v12;
	v7 =	vsub.f32 $0.0e+00, v1  }
0x6b: {  	v1 =	vld.idx.msk [tilespmem:v26+s3+$0x0], $0xffff;
	v6 =	vadd.f32 v6, v9;
	v15 =	vmul.f32 $1.442695020e+00, v5;
	v2 =	vpop (erf);
	(erf) = vpow2.f32 v3  }
0x6c: {  	v9 =	vsub.f32 $0.0e+00, v4;
	v4 =	vld.idx.msk [tilespmem:v29+s13+$0x0], $0xffff;
	v12 =	vmul.f32 $1.442695020e+00, v7  }
0x6d: {  	s30 =	simm.s32 $0xEC80;
	v63 =	vadd.f32 v11, v10;
	v5 =	vadd.f32 $1.000000000e+00, v2;
	v2 =	vld.idx.msk [tilespmem:v27+s13+$0x0], $0xffff;
	v3 =	vpop (erf);
	(erf) = vpow2.f32 v15  }
0x6e: {  	[tilespmem:s30+$0x70] =	vst v13;
	v15 =	vsub.f32 $0.0e+00, v6;
	v13 =	vadd.f32 v14, v8;
	v8 =	vld.idx.msk [tilespmem:v31+s13+$0x0], $0xffff  }
0x6f: {  	s31 =	simm.s32 $0x0;
	s25 =	simm.s32 $0x9D00;
	s26 =	simm.s32 $0x4DF0;
	v10 =	vmul.f32 $1.442695020e+00, v9;
	v7 =	vadd.f32 $1.000000000e+00, v3;
	v3 =	vld.idx.msk [tilespmem:v28+s3+$0x0], $0xffff;
	v6 =	vpop (erf);
	(erf) = vpow2.f32 v12  }
0x70: {  	s28 =	simm.s32 $0x13A00;
	s29 =	simm.s32 $0xEB80;
	s0 =	simm.s32 $0x5080;
	v12 =	vsub.f32 $0.0e+00, v63;
	v9 =	vadd.f32 $1.000000000e+00, v6;
	v6 =	vld.idx.msk [tilespmem:v30+s3+$0x0], $0xffff;
	v11 =	vmul.f32 $1.442695020e+00, v15;
	v14 =	vpop (erf)  }
.LBB2_2:
0x71: {  	v15 =	vld [tilespmem:s0+$0x70];
	v14 =	vadd.f32 $1.000000000e+00, v14;
	s24 =	sadd.s32 $0x100, s24;
	(erf) = vpow2.f32 v10  }
0x72: {  	s31 =	sadd.s32 $0x100, s31;
	v16 =	vadd.f32 v2, v1;
	v10 =	vld [tilespmem:s24+$0x70];
	v12 =	vmul.f32 $1.442695020e+00, v12;
	v13 =	vsub.f32 $0.0e+00, v13;
	v2 =	vpop (erf)  }
0x73: {  	p0 =	slt.u32 s31, $0x4D00;
	v1 =	vld [tilespmem:s24+$0xFFFFFF80];
	v17 =	vadd.f32 $1.000000000e+00, v2;
	(erf) = vpow2.f32 v11  }
0x74: {  	v2 =	vld [tilespmem:s0+$0xFFFFFF90];
	v11 =	vmul.f32 $1.442695020e+00, v13;
	v13 =	vsub.f32 $0.0e+00, v16;
	v16 =	vadd.f32 v4, v3;
	v4 =	vpop (erf)  }
0x75: {  	v3 =	vld [tilespmem:s24+$0xFFFFFF90];
	v18 =	vadd.f32 $1.000000000e+00, v4;
	(erf) = vpow2.f32 v12  }
0x76: {  	v20 =	vadd.f32 v8, v6;
	v4 =	vld [tilespmem:s0+$0xFFFFFFA0];
	v12 =	vmul.f32 $1.442695020e+00, v13;
	v13 =	vsub.f32 $0.0e+00, v16;
	v8 =	vpop (erf)  }
0x77: {  	v6 =	vld [tilespmem:s24+$0xFFFFFFA0];
	v19 =	vadd.f32 $1.000000000e+00, v8;
	(erf) = vpow2.f32 v11  }
0x78: {  	v8 =	vld [tilespmem:s0+$0xFFFFFFB0];
	v11 =	vmul.f32 $1.442695020e+00, v13;
	v13 =	vsub.f32 $0.0e+00, v20;
	v16 =	vpop (erf);
	(erf) = vpow2.f32 v12  }
0x79: {  	v12 =	vld.idx.msk [tilespmem:v15+s3+$0x0], $0xffff;
	v15 =	vadd.f32 $1.000000000e+00, v16;
	(erf) = vrcp.f32 v14  }
0x7a: {  	v10 =	vld.idx.msk [tilespmem:v10+s13+$0x0], $0xffff;
	v13 =	vmul.f32 $1.442695020e+00, v13;
	v14 =	vpop (erf);
	(erf) = vpow2.f32 v11  }
0x7b: {  	v11 =	vld [tilespmem:s24+$0xFFFFFFB0];
	v14 =	vadd.f32 $1.000000000e+00, v14;
	(erf) = vrcp.f32 v5  }
0x7c: {  	v5 =	vld [tilespmem:s0+$0xFFFFFFC0];
	v16 =	vpop (erf);
	(erf) = vpow2.f32 v13  }
0x7d: {  	v13 =	vld [tilespmem:s24+$0xFFFFFFC0];
	v16 =	vadd.f32 $1.000000000e+00, v16;
	(erf) = vrcp.f32 v7  }
0x7e: {  	v7 =	vld [tilespmem:s0+$0xFFFFFFD0];
	(erf) = vrcp.f32 v9;
	v9 =	vpop (erf)  }
0x7f: {  	v20 =	vld [tilespmem:s24+$0xFFFFFFD0];
	v9 =	vadd.f32 $1.000000000e+00, v9;
	(erf) = vrcp.f32 v17  }
0x80: {  	v10 =	vadd.f32 v10, v12;
	v17 =	vld [tilespmem:s0+$0xFFFFFFE0];
	(erf) = vrcp.f32 v18;
	v12 =	vpop (erf)  }
0x81: {  	v18 =	vld [tilespmem:s24+$0xFFFFFFE0];
	v12 =	vadd.f32 $1.000000000e+00, v12;
	(erf) = vrcp.f32 v19;
	v19 =	vpop (erf)  }
0x82: {  	v10 =	vsub.f32 $0.0e+00, v10;
	v21 =	vld [tilespmem:s0+$0xFFFFFFF0];
	v19 =	vadd.f32 $1.000000000e+00, v19;
	v22 =	vpop (erf);
	(erf) = vrcp.f32 v15  }
0x83: {  	v15 =	vld [tilespmem:s24+$0xFFFFFFF0];
	[tilespmem:s30+$0xFFFFFF80] =	vst v22;
	(erf) = vrcp.f32 v14;
	v14 =	vpop (erf)  }
0x84: {  	v24 =	vmul.f32 $1.442695020e+00, v10;
	v22 =	vld [tilespmem:s0+$0x0];
	v14 =	vadd.f32 $1.000000000e+00, v14;
	v23 =	vpop (erf);
	(erf) = vrcp.f32 v16  }
0x85: {  	v16 =	vld [tilespmem:s24+$0x0];
	[tilespmem:s30+$0xFFFFFF90] =	vst v23;
	(erf) = vrcp.f32 v9;
	v9 =	vpop (erf)  }
0x86: {  	v23 =	vld [tilespmem:s0+$0x10];
	(erf) = vpow2.f32 v24;
	v9 =	vadd.f32 $1.000000000e+00, v9;
	v10 =	vpop (erf)  }
0x87: {  	v24 =	vld [tilespmem:s24+$0x10];
	[tilespmem:s30+$0xFFFFFFA0] =	vst v10;
	v10 =	vpop (erf);
	(erf) = vrcp.f32 v12  }
0x88: {  	v12 =	vld [tilespmem:s0+$0x20];
	[tilespmem:s30+$0xFFFFFFB0] =	vst v10;
	v10 =	vpop (erf);
	(erf) = vrcp.f32 v19  }
0x89: {  	v19 =	vld [tilespmem:s24+$0x20];
	[tilespmem:s30+$0xFFFFFFC0] =	vst v10;
	v10 =	vpop (erf);
	(erf) = vrcp.f32 v14  }
0x8a: {  	v14 =	vld [tilespmem:s0+$0x30];
	[tilespmem:s30+$0xFFFFFFD0] =	vst v10;
	v10 =	vpop (erf);
	(erf) = vrcp.f32 v9  }
0x8b: {  	v9 =	vld [tilespmem:s24+$0x30];
	[tilespmem:s30+$0xFFFFFFE0] =	vst v10;
	v10 =	vpop (erf)  }
0x8c: {  	v25 =	vld [tilespmem:s0+$0x40];
	[tilespmem:s30+$0xFFFFFFF0] =	vst v10;
	v10 =	vpop (erf)  }
0x8d: {  	v26 =	vld [tilespmem:s24+$0x40];
	[tilespmem:s30+$0x0] =	vst v10;
	v10 =	vpop (erf)  }
0x8e: {  	v27 =	vld [tilespmem:s0+$0x50];
	[tilespmem:s30+$0x10] =	vst v10;
	v10 =	vpop (erf)  }
0x8f: {  	v28 =	vld [tilespmem:s24+$0x50];
	v29 =	vpop (erf);
	[tilespmem:s30+$0x20] =	vst v10  }
0x90: {  	v30 =	vld [tilespmem:s0+$0x60];
	v33 =	vadd.f32 $1.000000000e+00, v29;
	v29 =	vpop (erf)  }
0x91: {  	v31 =	vld [tilespmem:s24+$0x60];
	[tilespmem:s30+$0x30] =	vst v29;
	v29 =	vpop (erf)  }
0x92: {  	v32 =	vld [tilespmem:s0+$0xFFFFFF80];
	(erf) = vrcp.f32 v33;
	[tilespmem:s30+$0x40] =	vst v29;
	v10 =	vpop (erf)  }
0x93: {  	v1 =	vld.idx.msk [tilespmem:v1+s13+$0x0], $0xffff;
	[tilespmem:s30+$0x50] =	vst v10;
	v10 =	vpop (erf)  }
0x94: {  	v2 =	vld.idx.msk [tilespmem:v2+s3+$0x0], $0xffff;
	[tilespmem:s30+$0x60] =	vst v10  }
0x95: {  	v3 =	vld.idx.msk [tilespmem:v3+s13+$0x0], $0xffff  }
0x96: {  	v4 =	vld.idx.msk [tilespmem:v4+s3+$0x0], $0xffff  }
0x97: {  	v6 =	vld.idx.msk [tilespmem:v6+s13+$0x0], $0xffff  }
0x98: {  	v8 =	vld.idx.msk [tilespmem:v8+s3+$0x0], $0xffff  }
0x99: {  	v10 =	vld.idx.msk [tilespmem:v11+s13+$0x0], $0xffff  }
0x9a: {  	v11 =	vld.idx.msk [tilespmem:v32+s3+$0x0], $0xffff  }
0x9b: {  	s30 =	sadd.s32 $0x100, s30;
	v2 =	vadd.f32 v3, v2;
	v3 =	vld.idx.msk [tilespmem:v5+s3+$0x0], $0xffff;
	v5 =	vpop (erf)  }
0x9c: {  	v13 =	vld.idx.msk [tilespmem:v13+s13+$0x0], $0xffff;
	[tilespmem:s30+$0x70] =	vst v5  }
0x9d: {  	v2 =	vsub.f32 $0.0e+00, v2;
	v4 =	vadd.f32 v6, v4;
	v5 =	vld.idx.msk [tilespmem:v7+s3+$0x0], $0xffff  }
0x9e: {  	v6 =	vld.idx.msk [tilespmem:v20+s13+$0x0], $0xffff  }
0x9f: {  	v2 =	vmul.f32 $1.442695020e+00, v2;
	v4 =	vsub.f32 $0.0e+00, v4;
	v7 =	vadd.f32 v10, v8;
	v8 =	vld.idx.msk [tilespmem:v17+s3+$0x0], $0xffff  }
0xa0: {  	v1 =	vadd.f32 v1, v11;
	v10 =	vld.idx.msk [tilespmem:v18+s13+$0x0], $0xffff  }
0xa1: {  	v4 =	vmul.f32 $1.442695020e+00, v4;
	v7 =	vsub.f32 $0.0e+00, v7;
	v11 =	vld.idx.msk [tilespmem:v21+s3+$0x0], $0xffff;
	(erf) = vpow2.f32 v2  }
0xa2: {  	v1 =	vsub.f32 $0.0e+00, v1;
	v2 =	vadd.f32 v13, v3;
	v3 =	vld.idx.msk [tilespmem:v15+s13+$0x0], $0xffff  }
0xa3: {  	v7 =	vmul.f32 $1.442695020e+00, v7;
	v13 =	vld.idx.msk [tilespmem:v22+s3+$0x0], $0xffff;
	(erf) = vpow2.f32 v4  }
0xa4: {  	v1 =	vmul.f32 $1.442695020e+00, v1;
	v2 =	vsub.f32 $0.0e+00, v2;
	v4 =	vadd.f32 v6, v5;
	v5 =	vld.idx.msk [tilespmem:v16+s13+$0x0], $0xffff  }
0xa5: {  	v6 =	vld.idx.msk [tilespmem:v23+s3+$0x0], $0xffff;
	(erf) = vpow2.f32 v7  }
0xa6: {  	v2 =	vmul.f32 $1.442695020e+00, v2;
	v4 =	vsub.f32 $0.0e+00, v4;
	v7 =	vadd.f32 v10, v8;
	v8 =	vld.idx.msk [tilespmem:v24+s13+$0x0], $0xffff  }
0xa7: {  	v12 =	vld.idx.msk [tilespmem:v12+s3+$0x0], $0xffff;
	(erf) = vpow2.f32 v1  }
0xa8: {  	v4 =	vmul.f32 $1.442695020e+00, v4;
	v7 =	vsub.f32 $0.0e+00, v7;
	v3 =	vadd.f32 v3, v11;
	v11 =	vld.idx.msk [tilespmem:v19+s13+$0x0], $0xffff  }
0xa9: {  	v14 =	vld.idx.msk [tilespmem:v14+s3+$0x0], $0xffff;
	(erf) = vpow2.f32 v2  }
0xaa: {  	v10 =	vmul.f32 $1.442695020e+00, v7;
	v2 =	vsub.f32 $0.0e+00, v3;
	v7 =	vadd.f32 v5, v13;
	v13 =	vld.idx.msk [tilespmem:v9+s13+$0x0], $0xffff;
	v1 =	vpop (erf)  }
0xab: {  	v5 =	vadd.f32 $1.000000000e+00, v1;
	v1 =	vld.idx.msk [tilespmem:v25+s3+$0x0], $0xffff;
	(erf) = vpow2.f32 v4  }
.Ltmp0:
0xac: {  	v15 =	vmul.f32 $1.442695020e+00, v2;
	v4 =	vsub.f32 $0.0e+00, v7;
	v9 =	vadd.f32 v8, v6;
	v2 =	vld.idx.msk [tilespmem:v26+s13+$0x0], $0xffff;
	v3 =	vpop (erf);
	(pc) =	sbr.rel @p0 .LBB2_2-.Ltmp0, $4  }
0xad: {  	v7 =	vadd.f32 $1.000000000e+00, v3;
	v3 =	vld.idx.msk [tilespmem:v27+s3+$0x0], $0xffff;
	(erf) = vpow2.f32 v10  }
0xae: {  	v10 =	vmul.f32 $1.442695020e+00, v4;
	v8 =	vsub.f32 $0.0e+00, v9;
	v12 =	vadd.f32 v11, v12;
	v4 =	vld.idx.msk [tilespmem:v28+s13+$0x0], $0xffff;
	v6 =	vpop (erf)  }
0xaf: {  	v9 =	vadd.f32 $1.000000000e+00, v6;
	v6 =	vld.idx.msk [tilespmem:v30+s3+$0x0], $0xffff;
	(erf) = vpow2.f32 v15  }
0xb0: {  	s0 =	sadd.s32 $0x100, s0;
	v11 =	vmul.f32 $1.442695020e+00, v8;
	v12 =	vsub.f32 $0.0e+00, v12;
	v13 =	vadd.f32 v13, v14;
	v8 =	vld.idx.msk [tilespmem:v31+s13+$0x0], $0xffff;
	v14 =	vpop (erf)  }
0xb1: {  	v1 =	vadd.f32 v2, v1  }
0xb2: {  	(erf) = vpow2.f32 v10;
	v2 =	vmul.f32 $1.442695020e+00, v12;
	v51 =	vsub.f32 $0.0e+00, v13  }
0xb3: {  	(erf) = vpow2.f32 v11;
	v1 =	vsub.f32 $0.0e+00, v1;
	v3 =	vadd.f32 v4, v3  }
0xb4: {  	v52 =	vmul.f32 $1.442695020e+00, v51;
	(erf) = vpow2.f32 v2  }
0xb5: {  	v1 =	vmul.f32 $1.442695020e+00, v1;
	v2 =	vsub.f32 $0.0e+00, v3;
	v3 =	vadd.f32 v8, v6  }
0xb6: {  	v53 =	vadd.f32 $1.000000000e+00, v14  }
0xb7: {  	(erf) = vpow2.f32 v52;
	v2 =	vmul.f32 $1.442695020e+00, v2;
	v3 =	vsub.f32 $0.0e+00, v3  }
0xb8: {  	(erf) = vpow2.f32 v1  }
0xb9: {  	v1 =	vpop (erf);
	(erf) = vrcp.f32 v53;
	v3 =	vmul.f32 $1.442695020e+00, v3  }
0xba: {  	v54 =	vpop (erf);
	(erf) = vpow2.f32 v2  }
0xbb: {  	v2 =	vpop (erf);
	(erf) = vrcp.f32 v5  }
0xbc: {  	v55 =	vpop (erf);
	(erf) = vpow2.f32 v3  }
0xbd: {  	v1 =	vadd.f32 $1.000000000e+00, v1;
	v2 =	vadd.f32 $1.000000000e+00, v2;
	v3 =	vpop (erf);
	(erf) = vrcp.f32 v7  }
0xbe: {  	v4 =	vadd.f32 $1.000000000e+00, v54;
	v56 =	vpop (erf);
	(erf) = vrcp.f32 v9  }
0xbf: {  	v57 =	vpop (erf);
	(erf) = vrcp.f32 v1  }
0xc0: {  	v3 =	vadd.f32 $1.000000000e+00, v3;
	v1 =	vadd.f32 $1.000000000e+00, v55;
	(erf) = vrcp.f32 v4;
	v58 =	vpop (erf)  }
0xc1: {  	(erf) = vrcp.f32 v2;
	v2 =	vpop (erf)  }
0xc2: {  	v60 =	vpop (erf);
	(erf) = vrcp.f32 v1;
	v1 =	vadd.f32 $1.000000000e+00, v57  }
0xc3: {  	v59 =	vadd.f32 $1.000000000e+00, v56  }
0xc4: {  	(erf) = vrcp.f32 v3;
	v3 =	vpop (erf)  }
0xc5: {  	v4 =	vadd.f32 $1.000000000e+00, v58;
	v2 =	vadd.f32 $1.000000000e+00, v2;
	v61 =	vpop (erf);
	(erf) = vrcp.f32 v59  }
0xc6: {  	[tilespmem:s30+$0xFFFFFF80] =	vst v60;
	(erf) = vrcp.f32 v1;
	v1 =	vpop (erf)  }
0xc7: {  	v3 =	vadd.f32 $1.000000000e+00, v3;
	[tilespmem:s30+$0xFFFFFF90] =	vst v61;
	(erf) = vrcp.f32 v4;
	v62 =	vpop (erf);
	v1 =	vadd.f32 $1.000000000e+00, v1  }
0xc8: {  	(erf) = vrcp.f32 v2;
	[tilespmem:s30+$0xFFFFFFA0] =	vst v62;
	v63 =	vpop (erf)  }
0xc9: {  	(erf) = vrcp.f32 v3;
	[tilespmem:s30+$0xFFFFFFB0] =	vst v63;
	v2 =	vpop (erf)  }
0xca: {  	(erf) = vrcp.f32 v1;
	[tilespmem:s30+$0xFFFFFFC0] =	vst v2;
	v2 =	vpop (erf)  }
0xcb: {  	[tilespmem:s30+$0xFFFFFFD0] =	vst v2;
	v1 =	vpop (erf)  }
0xcc: {  	[tilespmem:s30+$0xFFFFFFE0] =	vst v1;
	v1 =	vpop (erf)  }
0xcd: {  	[tilespmem:s30+$0xFFFFFFF0] =	vst v1;
	v1 =	vpop (erf)  }
0xce: {  	[tilespmem:s30+$0x0] =	vst v1;
	v1 =	vpop (erf)  }
0xcf: {  	[tilespmem:s30+$0x10] =	vst v1;
	v1 =	vpop (erf)  }
0xd0: {  	[tilespmem:s30+$0x20] =	vst v1;
	v1 =	vpop (erf)  }
0xd1: {  	[tilespmem:s30+$0x30] =	vst v1;
	v1 =	vpop (erf)  }
0xd2: {  	[tilespmem:s30+$0x40] =	vst v1;
	v1 =	vpop (erf)  }
0xd3: {  	[tilespmem:s30+$0x50] =	vst v1;
	v1 =	vpop (erf)  }
0xd4: {  	[tilespmem:s30+$0x60] =	vst v1  }
.LBB2_4:
0xd5: {  	v1 =	vld [tilespmem:s25+$0x0]  }
0xd6: {  	v2 =	vld [tilespmem:s29+$0x0];
	_ =	sdelay $0x6  }
0xd7: {  	v1 =	vld.idx.msk [tilespmem:v1+s3+$0x0], $0xffff  }
0xd8: {  	v2 =	vld.idx.msk [tilespmem:v2+s13+$0x0], $0xffff;
	_ =	sdelay $0x4  }
0xd9: {  	v1 =	vadd.f32 v2, v1;
	_ =	sdelay $0x1  }
0xda: {  	v1 =	vsub.f32 $0.0e+00, v1;
	_ =	sdelay $0x1  }
0xdb: {  	v1 =	vmul.f32 $1.442695020e+00, v1;
	_ =	sdelay $0x1  }
0xdc: {  	(erf) = vpow2.f32 v1;
	_ =	sdelay $0x8  }
0xdd: {  	v1 =	vpop (erf)  }
0xde: {  	v1 =	vadd.f32 $1.000000000e+00, v1;
	_ =	sdelay $0x1  }
0xdf: {  	(erf) = vrcp.f32 v1;
	_ =	sdelay $0x3  }
0xe0: {  	s26 =	sadd.s32 $0x10, s26  }
0xe1: {  	p0 =	slt.u32 s26, $0x4E10  }
.Ltmp1:
0xe2: {  	_ = 	snop;
	(pc) =	sbr.rel @p0 .LBB2_4-.Ltmp1, $3  }
0xe3: {  	_ =	sdelay $0x1  }
0xe4: {  	v1 =	vpop (erf)  }
0xe5: {  	s29 =	sadd.s32 $0x10, s29;
	s25 =	sadd.s32 $0x10, s25;
	[tilespmem:s28+$0x0] =	vst v1;
	s28 =	sadd.s32 $0x10, s28  }
0xe6: {  	[spmem:s9] =	stream.linear.scatter [tilespmem:s18], [sflag:$0x2], $0x4E20, $0x38;
	[tilespmem:$0x1FF20] =	vst v63  }
0xe7: {  	_ =	swait.ge [sflag:s19], $0x4E20  }
0xe8: {  	[sflag:s19] =	ssyncset.done $0x0  }
0xe9: {  	s0 =	simm.s32 $0x200;
	[sflag:s19] =	ssyncadd.s32 $0xFFFFB1E0  }
0xea: {  	s24 =	simm.s32 $0x16200;
	s25 =	simm.s32 $0x13A80;
	[bflag:$0x0] =	sbarrier.arrive $0xFFFF  }
.LBB2_6:
0xeb: {  	[tilespmem:s24], [sflag:$0x1] =	stream.indirect.gather [spmem:s2], $0x1, s25, s20, $0xb8;
	[tilespmem:$0x1FF20] =	vst v63  }
0xec: {  	s24 =	smov.u32 s0;
	p0 =	sne.s32 s0, $0x9C00  }
.Ltmp2:
0xed: {  	s0 =	sadd.s32 $0x200, s0;
	(pc) =	sbr.rel @p0 .LBB2_6-.Ltmp2, $3  }
0xee: {  	_ =	sdelay $0x1  }
0xef: {  	s25 =	sshra.s32 s24, $0x2  }
0xf0: {  	s24 =	sadd.s32 $0x16200, s25;
	s25 =	sadd.s32 $0x13A80, s25  }
0xf1: {  	[tilespmem:s24], [sflag:$0x1] =	stream.indirect.gather [spmem:s2], $0x1, s25, s20, $0xb8;
	[tilespmem:$0x1FF20] =	vst v63  }
0xf2: {  	_ = 	snop  }
0xf3: {  	[tilespmem:s21], [sflag:$0x2] =	stream.linear.gather [spmem:s10], $0x2710, $0x38;
	[tilespmem:$0x1FF20] =	vst v63  }
0xf4: {  	_ =	swait.ge [sflag:s19], $0x2710  }
0xf5: {  	[sflag:s19] =	ssyncset.done $0x0  }
0xf6: {  	[sflag:s19] =	ssyncadd.s32 $0xFFFFD8F0  }
0xf7: {  	_ =	swait.ge [sflag:s17], $0x2780  }
0xf8: {  	[sflag:s17] =	ssyncset.done $0x0  }
0xf9: {  	s31 =	simm.s32 $0x189C0;
	[sflag:s17] =	ssyncadd.s32 $0xFFFFD880  }
0xfa: {  	s0 =	simm.s32 $0x16240;
	v2 =	vld [tilespmem:s31+$0x30]  }
0xfb: {  	v3 =	vld [tilespmem:s0+$0x30]  }
0xfc: {  	v1 =	vld [tilespmem:s0+$0xFFFFFFC0]  }
0xfd: {  	v4 =	vld [tilespmem:s31+$0xFFFFFFD0]  }
0xfe: {  	v5 =	vld [tilespmem:s0+$0xFFFFFFD0]  }
0xff: {  	v6 =	vld [tilespmem:s31+$0xFFFFFFE0]  }
0x100: {  	v7 =	vld [tilespmem:s0+$0xFFFFFFE0]  }
0x101: {  	v8 =	vld [tilespmem:s31+$0xFFFFFFF0]  }
0x102: {  	v9 =	vld [tilespmem:s0+$0xFFFFFFF0]  }
0x103: {  	v10 =	vld [tilespmem:s31+$0x0]  }
0x104: {  	v11 =	vld [tilespmem:s0+$0x0];
	v3 =	vmul.f32 v3, v2  }
0x105: {  	v5 =	vmul.f32 v5, v4;
	v2 =	vld [tilespmem:s31+$0x10]  }
0x106: {  	v6 =	vmul.f32 v7, v6;
	v4 =	vld [tilespmem:s0+$0x10];
	[tilespmem:s0+$0x30] =	vst v3  }
0x107: {  	v7 =	vmul.f32 v9, v8;
	[tilespmem:s0+$0xFFFFFFD0] =	vst v5;
	v3 =	vld [tilespmem:s31+$0x20]  }
0x108: {  	[tilespmem:s0+$0xFFFFFFE0] =	vst v6;
	v6 =	vld [tilespmem:s0+$0x20]  }
0x109: {  	s25 =	simm.s32 $0x0;
	s26 =	simm.s32 $0x18A40;
	s24 =	simm.s32 $0x16240;
	v5 =	vld [tilespmem:s31+$0xFFFFFFC0];
	[tilespmem:s0+$0xFFFFFFF0] =	vst v7;
	v7 =	vmul.f32 v11, v10  }
.LBB2_8:
0x10a: {  	v8 =	vld [tilespmem:s26+$0x30];
	s0 =	sadd.s32 $0x80, s0  }
0x10b: {  	s25 =	sadd.s32 $0x80, s25;
	v9 =	vld [tilespmem:s0+$0x30];
	[tilespmem:s24+$0x0] =	vst v7;
	v2 =	vmul.f32 v4, v2  }
0x10c: {  	p0 =	slt.u32 s25, $0x2680;
	v4 =	vld [tilespmem:s0+$0xFFFFFFC0]  }
0x10d: {  	v7 =	vld [tilespmem:s26+$0xFFFFFFD0];
	[tilespmem:s24+$0x10] =	vst v2;
	v2 =	vmul.f32 v6, v3  }
0x10e: {  	v3 =	vld [tilespmem:s0+$0xFFFFFFD0];
	v10 =	vmul.f32 v1, v5  }
0x10f: {  	v5 =	vld [tilespmem:s26+$0xFFFFFFE0];
	[tilespmem:s24+$0x20] =	vst v2  }
0x110: {  	v2 =	vld [tilespmem:s0+$0xFFFFFFE0];
	v6 =	vmul.f32 v9, v8;
	[tilespmem:s24+$0xFFFFFFC0] =	vst v10;
	s24 =	smov.u32 s0  }
0x111: {  	v8 =	vld [tilespmem:s26+$0xFFFFFFF0];
	v1 =	vmov v4  }
0x112: {  	v9 =	vld [tilespmem:s0+$0xFFFFFFF0];
	[tilespmem:s0+$0x30] =	vst v6  }
0x113: {  	v3 =	vmul.f32 v3, v7;
	v7 =	vld [tilespmem:s26+$0x0]  }
0x114: {  	v10 =	vld [tilespmem:s0+$0x0]  }
.Ltmp3:
0x115: {  	[tilespmem:s0+$0xFFFFFFD0] =	vst v3;
	v3 =	vmul.f32 v2, v5;
	v2 =	vld [tilespmem:s26+$0x10];
	(pc) =	sbr.rel @p0 .LBB2_8-.Ltmp3, $4  }
0x116: {  	v4 =	vld [tilespmem:s0+$0x10]  }
0x117: {  	[tilespmem:s0+$0xFFFFFFE0] =	vst v3;
	v8 =	vmul.f32 v9, v8;
	v3 =	vld [tilespmem:s26+$0x20]  }
0x118: {  	v6 =	vld [tilespmem:s0+$0x20]  }
0x119: {  	v5 =	vld [tilespmem:s26+$0xFFFFFFC0];
	[tilespmem:s0+$0xFFFFFFF0] =	vst v8;
	v7 =	vmul.f32 v10, v7;
	s26 =	sadd.s32 $0x80, s26  }
0x11a: {  	_ =	sdelay $0x1  }
0x11b: {  	v2 =	vmul.f32 v4, v2  }
0x11c: {  	[tilespmem:s24+$0x0] =	vst v7;
	v3 =	vmul.f32 v6, v3  }
0x11d: {  	[tilespmem:s24+$0x10] =	vst v2;
	v1 =	vmul.f32 v1, v5  }
0x11e: {  	[tilespmem:s24+$0x20] =	vst v3  }
0x11f: {  	[tilespmem:s24+$0xFFFFFFC0] =	vst v1  }
0x120: {  	v1 =	vld [tilespmem:$0x1B080]  }
0x121: {  	v2 =	vld [tilespmem:$0x18900];
	_ =	sdelay $0x4  }
0x122: {  	s23 =	sadd.s32 $0x1, s23;
	v1 =	vmul.f32 v2, v1  }
0x123: {  	p0 =	sne.s32 s23, s12  }
.Ltmp4:
0x124: {  	[tilespmem:$0x18900] =	vst v1;
	(pc) =	sbr.rel @p0 .LBB2_1-.Ltmp4, $4  }
0x125: {  	[hbm4b:s11+s3] =	stream.linear.scatter [tilespmem:s22], [sflag:$0x2], $0x2710, $0x38;
	[tilespmem:$0x1FF20] =	vst v63  }
0x126: {  	_ =	swait.ge [sflag:s19], $0x2710  }
0x127: {  	[sflag:s19] =	ssyncset.done $0x0  }
0x128: {  	[sflag:s19] =	ssyncadd.s32 $0xFFFFD8F0  }
0x129: {  	_ =	sfence.sel $0x180000  }
0x12a: {  	[bflag:$0x0] =	sbarrier.arrive $0xFFFF  }
0x12b: {  	_ =	strace $0x90000047  }
0x12c: {  	[bflag:$0x2] =	sbarrier.arrive $0xFFFF  }
0x12d: {  	p0 =	sne.s32 s1, $0x0;
	s0 =	rddreg [dreg:$0x4]  }
0x12e: {  	s0 =	sadd.s32 @!p0 $0x100000, s0  }
0x12f: {  	[sflag:s0] =	ssyncadd.tile.s32 @!p0 $0x1;
	_ =	shalt  }
.Lfunc_end2:
_tile_overlayer_lowered:
.L_overlay_start_2:
0x130: {  	(tag) =	ssettag $0x2  }
0x131: {  	s0 =	rddreg [dreg:$0x0];
	s2 =	stileid.u32  }
0x132: {  	s1 =	rddreg [dreg:$0x1];
	p0 =	sne.s32 s2, $0x0  }
0x133: {  	s3 =	rddreg [dreg:$0x2];
	[bflag:$0x3] =	sbarrier.arrive $0xFFFF;
	s2 =	simm.s32 @!p0 $0x1C02  }
0x134: {  	[timem:s3], [sflag:s2] =	dma.local @!p0 [hbm:s0], s1  }
0x135: {  	s0 =	simm.s32 @!p0 $0x2  }
0x136: {  	_ =	swait.ge @!p0 [sflag:s0], s1  }
0x137: {  	s1 =	ssub.s32 @!p0 $0x0, s1;
	[sflag:s0] =	ssyncset.done @!p0 $0x0  }
0x138: {  	[sflag:s0] =	ssyncadd.s32 @!p0 s1  }
0x139: {  	[bflag:$0x3] =	sbarrier.arrive $0xFFFF  }
0x13a: {  	_ =	shalt  }

</sc_bundles>
